<compile_context>
chip_gen: v7x
topology: tpu7x:2x2x1
jax: 0.10.2.dev20260603
libtpu: 0.0.44.dev20260713+nightly
codegen_flags: <defaults>
</compile_context>

<pallas_src>
import functools

import jax
import jax.numpy as jnp
from jax.experimental import pallas as pl
from jax.experimental.pallas import tpu as pltpu
from jax.experimental.pallas import tpu_sc as plsc

A = -1.0
H = 0.0
K = 1.0
S = 64.0

_NC, _NS, _NL = 2, 16, 16

_HALF_PI = 1.5707963267948966
_PI = 3.141592653589793


def _asin_poly(z):
    p = 4.2163199048e-2
    p = p * z + 2.4181311049e-2
    p = p * z + 4.5470025998e-2
    p = p * z + 7.4953002686e-2
    p = p * z + 1.6666752422e-1
    return p


def _acos(x):
    ax = jnp.abs(x)
    z_s = x * x
    acos_small = _HALF_PI - (x + x * z_s * _asin_poly(z_s))
    t = 0.5 * (1.0 - ax)
    s = jnp.sqrt(t)
    r = 2.0 * (s + s * t * _asin_poly(t))
    acos_big = jnp.where(x > 0.0, r, _PI - r)
    return jnp.where(ax > 0.5, acos_big, acos_small)


_GW = 128


def _sc_gather_tiles(logits, labels):
    B, V = logits.shape
    b_per_w = B // _NC
    groups = b_per_w // 8
    mesh = plsc.ScalarSubcoreMesh(axis_name="c", num_cores=_NC)
    c0_arr = (jnp.maximum(labels, 0) // _GW) * _GW

    @functools.partial(
        pl.kernel,
        out_type=jax.ShapeDtypeStruct((B, 8, _GW), jnp.float32),
        mesh=mesh,
        scratch_types=[
            pltpu.SMEM((b_per_w,), jnp.int32),
            pltpu.SemaphoreType.DMA,
        ],
    )
    def k(c0_hbm, x_hbm, out_hbm, c0_s, sem):
        base = jax.lax.axis_index("c") * b_per_w
        pltpu.async_copy(c0_hbm.at[pl.ds(base, b_per_w)], c0_s, sem).wait()

        @pl.loop(0, groups)
        def _issue(g):
            r0 = pl.multiple_of(base + g * 8, 8)
            for kk in range(8):
                c0 = pl.multiple_of(c0_s[g * 8 + kk], _GW)
                pltpu.async_copy(
                    x_hbm.at[pl.ds(r0, 8), pl.ds(c0, _GW)],
                    out_hbm.at[r0 + kk], sem)

        @pl.loop(0, groups)
        def _drain(g):
            pltpu.make_async_copy(
                out_hbm.at[pl.ds(0, 8)], out_hbm.at[pl.ds(0, 8)], sem).wait()

    return k(c0_arr, logits)


def _tc_scale_scatter(logits, labels, trows_g, block_rows=8):
    B, V = logits.shape
    nrb = B // block_rows
    lab2 = labels.reshape(B, 1)

    def body(x_ref, lab_ref, t_ref, o_ref):
        i = pl.program_id(0)
        lab = lab_ref[pl.ds(i * block_rows, block_rows), :]
        safe = jnp.maximum(lab, 0)
        lane = jax.lax.rem(safe, _GW)
        rglob = (jax.lax.broadcasted_iota(jnp.int32, lab.shape, 0)
                 + i * block_rows)
        sub = jax.lax.rem(rglob, 8)
        tiles = t_ref[pl.ds(i * block_rows, block_rows)]
        sub_b = sub.reshape(block_rows, 1, 1)
        lane_b = lane.reshape(block_rows, 1, 1)
        msub = jax.lax.broadcasted_iota(jnp.int32, tiles.shape, 1) == sub_b
        mlan = jax.lax.broadcasted_iota(jnp.int32, tiles.shape, 2) == lane_b
        t3 = jnp.sum(jnp.where(msub & mlan, tiles, 0.0), axis=(1, 2))
        t = t3.reshape(block_rows, 1)
        theta = _acos(t)
        newv = (A * (theta - H) ** 2 + K) * S
        col = jax.lax.broadcasted_iota(jnp.int32, x_ref.shape, 1)
        o_ref[...] = jnp.where(col == lab, newv, x_ref[...] * S)

    return pl.pallas_call(
        body,
        grid=(nrb,),
        in_specs=[
            pl.BlockSpec((block_rows, V), lambda i: (i, 0)),
            pl.BlockSpec((B, 1), lambda i: (0, 0)),
            pl.BlockSpec((B, 8, _GW), lambda i: (0, 0, 0)),
        ],
        out_specs=pl.BlockSpec((block_rows, V), lambda i: (i, 0)),
        out_shape=jax.ShapeDtypeStruct((B, V), jnp.float32),
        compiler_params=pltpu.CompilerParams(
            dimension_semantics=("parallel",)),
    )(logits, lab2, trows_g)


def kernel(logits, labels):
    tiles_g = _sc_gather_tiles(logits, labels)
    return _tc_scale_scatter(logits, labels, tiles_g)

# --- scband reference (transcript-rebuilt; emitter-appended) ---
"""Pipeline reference for scband-sa-softmax-137438953810 (READ-ONLY COPY).

The authoritative reference and input builder live on the scoring server;
editing this copy changes nothing except your own understanding.
"""

import jax, jax.numpy as jnp
import numpy as np

# Module params: x = [s, a, h, k] -> self.a=x[1], self.h=x[2], self.k=x[3]; self.s assumed x[0]
A = -1.0
H = 0.0
K = 1.0
S = 64.0


def setup_inputs(seed: int = 0) -> dict:
    key = jax.random.key(seed)
    k1, k2 = jax.random.split(key)
    # uniform [0,1) so arccos is well-defined (cosine-similarity-like logits)
    logits = jax.random.uniform(k1, (1024, 100000), dtype=jnp.float32)
    labels = jax.random.randint(k2, (1024,), 0, 100000, dtype=jnp.int32)
    return {"logits": logits, "labels": labels}


def reference(logits, labels):
    B = logits.shape[0]
    rows = jnp.arange(B)
    mask = labels != -1
    safe_labels = jnp.where(mask, labels, 0)
    # gather target logit per sample
    target_logit = logits[rows, safe_labels]
    # no_grad block: arccos then quadratic remap a*(theta-h)^2 + k
    theta = jnp.arccos(target_logit)
    final_target_logit = A * (theta - H) ** 2 + K
    final_target_logit = jax.lax.stop_gradient(final_target_logit)
    # scatter-overwrite only where labels != -1 (set back original otherwise = no-op)
    new_vals = jnp.where(mask, final_target_logit, target_logit)
    updated = logits.at[rows, safe_labels].set(new_vals)
    return updated * S

if __name__ == "__main__":
    import jax
    _d = setup_inputs()
    print(jax.jit(kernel)(*tuple(_d.values())))

</pallas_src>

<mosaic_0001>
#map = affine_map<(d0) -> (0)>
#map1 = affine_map<(d0) -> (0, 0)>
#map2 = affine_map<(d0) -> (0, 0, 0)>
module attributes {stable_mosaic.version = 14 : i64} {
  func.func @k(%arg0: i32, %arg1: memref<1024xi32, #tpu.memory_space<hbm>>, %arg2: memref<1024x100000xf32, #tpu.memory_space<hbm>>, %arg3: memref<1024x8x128xf32, #tpu.memory_space<hbm>>, %arg4: memref<512xi32, #tpu.memory_space<smem>>, %arg5: memref<!tpu.dma_semaphore, #tpu.memory_space<semaphore_mem>>) attributes {dimension_semantics = [#tpu.dimension_semantics<core_parallel>], iteration_bounds = array<i64: 2>, scalar_prefetch = 0 : i64, scratch_operands = 2 : i64, tpu.core_type = #tpu.core_type<sc_scalar_subcore>, window_params = [{transform_indices = #map}, {transform_indices = #map1}, {transform_indices = #map2}]} {
    %mul3A = arith.constant 512 : i32
    %mul3A_0 = arith.muli %arg0, %mul3A : i32
    %dma_start3A = tpu.memref_slice %arg1[%mul3A_0] : memref<1024xi32, #tpu.memory_space<hbm>> -> memref<512xi32, #tpu.memory_space<hbm>>
    tpu.enqueue_dma source(%dma_start3A : memref<512xi32, #tpu.memory_space<hbm>>) target(%arg4 : memref<512xi32, #tpu.memory_space<smem>>) target_semaphore(%arg5 : memref<!tpu.dma_semaphore, #tpu.memory_space<semaphore_mem>>)
    %dma_wait3A = tpu.memref_slice %arg1[%mul3A_0] : memref<1024xi32, #tpu.memory_space<hbm>> -> memref<512xi32, #tpu.memory_space<hbm>>
    tpu.wait_dma2 semaphore(%arg5 : memref<!tpu.dma_semaphore, #tpu.memory_space<semaphore_mem>>) src(%dma_wait3A : memref<512xi32, #tpu.memory_space<hbm>>) dst(%arg4 : memref<512xi32, #tpu.memory_space<smem>>)
    %scan3A = arith.constant 0 : i32
    %scan3A_1 = arith.constant 64 : i32
    %scan3A_2 = arith.addi %scan3A, %scan3A_1 : i32
    %scan3A_3 = arith.constant 1 : i32
    scf.for %scan3A_10 = %scan3A to %scan3A_2 step %scan3A_3  : i32 {
      %mul3A_11 = arith.constant 1 : i32
      %mul3A_12 = arith.muli %scan3A_10, %mul3A_11 : i32
      %add3A = arith.constant 0 : i32
      %add3A_13 = arith.addi %add3A, %mul3A_12 : i32
      %mul3A_14 = arith.constant 8 : i32
      %mul3A_15 = arith.muli %add3A_13, %mul3A_14 : i32
      %add3A_16 = arith.addi %mul3A_0, %mul3A_15 : i32
      %multiple_of3A = tpu.assume_multiple %add3A_16, 8 : i32
      %mul3A_17 = arith.constant 8 : i32
      %mul3A_18 = arith.muli %add3A_13, %mul3A_17 : i32
      %add3A_19 = arith.constant 0 : i32
      %add3A_20 = arith.addi %mul3A_18, %add3A_19 : i32
      %get3A = arith.index_cast %add3A_20 : i32 to index
      %get3A_21 = memref.load %arg4[%get3A] : memref<512xi32, #tpu.memory_space<smem>>
      %multiple_of3A_22 = tpu.assume_multiple %get3A_21, 128 : i32
      %add3A_23 = arith.constant 0 : i32
      %add3A_24 = arith.addi %multiple_of3A, %add3A_23 : i32
      %dma_start3A_25 = arith.constant 0 : i32
      %dma_start3A_26 = arith.constant 0 : i32
      %dma_start3A_27 = tpu.memref_slice %arg3[%add3A_24, %dma_start3A_25, %dma_start3A_26] : memref<1024x8x128xf32, #tpu.memory_space<hbm>> -> memref<1x8x128xf32, #tpu.memory_space<hbm>>
      %dma_start3A_28 = tpu.memref_squeeze %dma_start3A_27 : memref<1x8x128xf32, #tpu.memory_space<hbm>> -> memref<8x128xf32, #tpu.memory_space<hbm>>
      %dma_start3A_29 = tpu.memref_slice %arg2[%multiple_of3A, %multiple_of3A_22] : memref<1024x100000xf32, #tpu.memory_space<hbm>> -> memref<8x128xf32, #tpu.memory_space<hbm>>
      tpu.enqueue_dma source(%dma_start3A_29 : memref<8x128xf32, #tpu.memory_space<hbm>>) target(%dma_start3A_28 : memref<8x128xf32, #tpu.memory_space<hbm>>) target_semaphore(%arg5 : memref<!tpu.dma_semaphore, #tpu.memory_space<semaphore_mem>>)
      %mul3A_30 = arith.constant 8 : i32
      %mul3A_31 = arith.muli %add3A_13, %mul3A_30 : i32
      %add3A_32 = arith.constant 1 : i32
      %add3A_33 = arith.addi %mul3A_31, %add3A_32 : i32
      %get3A_34 = arith.index_cast %add3A_33 : i32 to index
      %get3A_35 = memref.load %arg4[%get3A_34] : memref<512xi32, #tpu.memory_space<smem>>
      %multiple_of3A_36 = tpu.assume_multiple %get3A_35, 128 : i32
      %add3A_37 = arith.constant 1 : i32
      %add3A_38 = arith.addi %multiple_of3A, %add3A_37 : i32
      %dma_start3A_39 = arith.constant 0 : i32
      %dma_start3A_40 = arith.constant 0 : i32
      %dma_start3A_41 = tpu.memref_slice %arg3[%add3A_38, %dma_start3A_39, %dma_start3A_40] : memref<1024x8x128xf32, #tpu.memory_space<hbm>> -> memref<1x8x128xf32, #tpu.memory_space<hbm>>
      %dma_start3A_42 = tpu.memref_squeeze %dma_start3A_41 : memref<1x8x128xf32, #tpu.memory_space<hbm>> -> memref<8x128xf32, #tpu.memory_space<hbm>>
      %dma_start3A_43 = tpu.memref_slice %arg2[%multiple_of3A, %multiple_of3A_36] : memref<1024x100000xf32, #tpu.memory_space<hbm>> -> memref<8x128xf32, #tpu.memory_space<hbm>>
      tpu.enqueue_dma source(%dma_start3A_43 : memref<8x128xf32, #tpu.memory_space<hbm>>) target(%dma_start3A_42 : memref<8x128xf32, #tpu.memory_space<hbm>>) target_semaphore(%arg5 : memref<!tpu.dma_semaphore, #tpu.memory_space<semaphore_mem>>)
      %mul3A_44 = arith.constant 8 : i32
      %mul3A_45 = arith.muli %add3A_13, %mul3A_44 : i32
      %add3A_46 = arith.constant 2 : i32
      %add3A_47 = arith.addi %mul3A_45, %add3A_46 : i32
      %get3A_48 = arith.index_cast %add3A_47 : i32 to index
      %get3A_49 = memref.load %arg4[%get3A_48] : memref<512xi32, #tpu.memory_space<smem>>
      %multiple_of3A_50 = tpu.assume_multiple %get3A_49, 128 : i32
      %add3A_51 = arith.constant 2 : i32
      %add3A_52 = arith.addi %multiple_of3A, %add3A_51 : i32
      %dma_start3A_53 = arith.constant 0 : i32
      %dma_start3A_54 = arith.constant 0 : i32
      %dma_start3A_55 = tpu.memref_slice %arg3[%add3A_52, %dma_start3A_53, %dma_start3A_54] : memref<1024x8x128xf32, #tpu.memory_space<hbm>> -> memref<1x8x128xf32, #tpu.memory_space<hbm>>
      %dma_start3A_56 = tpu.memref_squeeze %dma_start3A_55 : memref<1x8x128xf32, #tpu.memory_space<hbm>> -> memref<8x128xf32, #tpu.memory_space<hbm>>
      %dma_start3A_57 = tpu.memref_slice %arg2[%multiple_of3A, %multiple_of3A_50] : memref<1024x100000xf32, #tpu.memory_space<hbm>> -> memref<8x128xf32, #tpu.memory_space<hbm>>
      tpu.enqueue_dma source(%dma_start3A_57 : memref<8x128xf32, #tpu.memory_space<hbm>>) target(%dma_start3A_56 : memref<8x128xf32, #tpu.memory_space<hbm>>) target_semaphore(%arg5 : memref<!tpu.dma_semaphore, #tpu.memory_space<semaphore_mem>>)
      %mul3A_58 = arith.constant 8 : i32
      %mul3A_59 = arith.muli %add3A_13, %mul3A_58 : i32
      %add3A_60 = arith.constant 3 : i32
      %add3A_61 = arith.addi %mul3A_59, %add3A_60 : i32
      %get3A_62 = arith.index_cast %add3A_61 : i32 to index
      %get3A_63 = memref.load %arg4[%get3A_62] : memref<512xi32, #tpu.memory_space<smem>>
      %multiple_of3A_64 = tpu.assume_multiple %get3A_63, 128 : i32
      %add3A_65 = arith.constant 3 : i32
      %add3A_66 = arith.addi %multiple_of3A, %add3A_65 : i32
      %dma_start3A_67 = arith.constant 0 : i32
      %dma_start3A_68 = arith.constant 0 : i32
      %dma_start3A_69 = tpu.memref_slice %arg3[%add3A_66, %dma_start3A_67, %dma_start3A_68] : memref<1024x8x128xf32, #tpu.memory_space<hbm>> -> memref<1x8x128xf32, #tpu.memory_space<hbm>>
      %dma_start3A_70 = tpu.memref_squeeze %dma_start3A_69 : memref<1x8x128xf32, #tpu.memory_space<hbm>> -> memref<8x128xf32, #tpu.memory_space<hbm>>
      %dma_start3A_71 = tpu.memref_slice %arg2[%multiple_of3A, %multiple_of3A_64] : memref<1024x100000xf32, #tpu.memory_space<hbm>> -> memref<8x128xf32, #tpu.memory_space<hbm>>
      tpu.enqueue_dma source(%dma_start3A_71 : memref<8x128xf32, #tpu.memory_space<hbm>>) target(%dma_start3A_70 : memref<8x128xf32, #tpu.memory_space<hbm>>) target_semaphore(%arg5 : memref<!tpu.dma_semaphore, #tpu.memory_space<semaphore_mem>>)
      %mul3A_72 = arith.constant 8 : i32
      %mul3A_73 = arith.muli %add3A_13, %mul3A_72 : i32
      %add3A_74 = arith.constant 4 : i32
      %add3A_75 = arith.addi %mul3A_73, %add3A_74 : i32
      %get3A_76 = arith.index_cast %add3A_75 : i32 to index
      %get3A_77 = memref.load %arg4[%get3A_76] : memref<512xi32, #tpu.memory_space<smem>>
      %multiple_of3A_78 = tpu.assume_multiple %get3A_77, 128 : i32
      %add3A_79 = arith.constant 4 : i32
      %add3A_80 = arith.addi %multiple_of3A, %add3A_79 : i32
      %dma_start3A_81 = arith.constant 0 : i32
      %dma_start3A_82 = arith.constant 0 : i32
      %dma_start3A_83 = tpu.memref_slice %arg3[%add3A_80, %dma_start3A_81, %dma_start3A_82] : memref<1024x8x128xf32, #tpu.memory_space<hbm>> -> memref<1x8x128xf32, #tpu.memory_space<hbm>>
      %dma_start3A_84 = tpu.memref_squeeze %dma_start3A_83 : memref<1x8x128xf32, #tpu.memory_space<hbm>> -> memref<8x128xf32, #tpu.memory_space<hbm>>
      %dma_start3A_85 = tpu.memref_slice %arg2[%multiple_of3A, %multiple_of3A_78] : memref<1024x100000xf32, #tpu.memory_space<hbm>> -> memref<8x128xf32, #tpu.memory_space<hbm>>
      tpu.enqueue_dma source(%dma_start3A_85 : memref<8x128xf32, #tpu.memory_space<hbm>>) target(%dma_start3A_84 : memref<8x128xf32, #tpu.memory_space<hbm>>) target_semaphore(%arg5 : memref<!tpu.dma_semaphore, #tpu.memory_space<semaphore_mem>>)
      %mul3A_86 = arith.constant 8 : i32
      %mul3A_87 = arith.muli %add3A_13, %mul3A_86 : i32
      %add3A_88 = arith.constant 5 : i32
      %add3A_89 = arith.addi %mul3A_87, %add3A_88 : i32
      %get3A_90 = arith.index_cast %add3A_89 : i32 to index
      %get3A_91 = memref.load %arg4[%get3A_90] : memref<512xi32, #tpu.memory_space<smem>>
      %multiple_of3A_92 = tpu.assume_multiple %get3A_91, 128 : i32
      %add3A_93 = arith.constant 5 : i32
      %add3A_94 = arith.addi %multiple_of3A, %add3A_93 : i32
      %dma_start3A_95 = arith.constant 0 : i32
      %dma_start3A_96 = arith.constant 0 : i32
      %dma_start3A_97 = tpu.memref_slice %arg3[%add3A_94, %dma_start3A_95, %dma_start3A_96] : memref<1024x8x128xf32, #tpu.memory_space<hbm>> -> memref<1x8x128xf32, #tpu.memory_space<hbm>>
      %dma_start3A_98 = tpu.memref_squeeze %dma_start3A_97 : memref<1x8x128xf32, #tpu.memory_space<hbm>> -> memref<8x128xf32, #tpu.memory_space<hbm>>
      %dma_start3A_99 = tpu.memref_slice %arg2[%multiple_of3A, %multiple_of3A_92] : memref<1024x100000xf32, #tpu.memory_space<hbm>> -> memref<8x128xf32, #tpu.memory_space<hbm>>
      tpu.enqueue_dma source(%dma_start3A_99 : memref<8x128xf32, #tpu.memory_space<hbm>>) target(%dma_start3A_98 : memref<8x128xf32, #tpu.memory_space<hbm>>) target_semaphore(%arg5 : memref<!tpu.dma_semaphore, #tpu.memory_space<semaphore_mem>>)
      %mul3A_100 = arith.constant 8 : i32
      %mul3A_101 = arith.muli %add3A_13, %mul3A_100 : i32
      %add3A_102 = arith.constant 6 : i32
      %add3A_103 = arith.addi %mul3A_101, %add3A_102 : i32
      %get3A_104 = arith.index_cast %add3A_103 : i32 to index
      %get3A_105 = memref.load %arg4[%get3A_104] : memref<512xi32, #tpu.memory_space<smem>>
      %multiple_of3A_106 = tpu.assume_multiple %get3A_105, 128 : i32
      %add3A_107 = arith.constant 6 : i32
      %add3A_108 = arith.addi %multiple_of3A, %add3A_107 : i32
      %dma_start3A_109 = arith.constant 0 : i32
      %dma_start3A_110 = arith.constant 0 : i32
      %dma_start3A_111 = tpu.memref_slice %arg3[%add3A_108, %dma_start3A_109, %dma_start3A_110] : memref<1024x8x128xf32, #tpu.memory_space<hbm>> -> memref<1x8x128xf32, #tpu.memory_space<hbm>>
      %dma_start3A_112 = tpu.memref_squeeze %dma_start3A_111 : memref<1x8x128xf32, #tpu.memory_space<hbm>> -> memref<8x128xf32, #tpu.memory_space<hbm>>
      %dma_start3A_113 = tpu.memref_slice %arg2[%multiple_of3A, %multiple_of3A_106] : memref<1024x100000xf32, #tpu.memory_space<hbm>> -> memref<8x128xf32, #tpu.memory_space<hbm>>
      tpu.enqueue_dma source(%dma_start3A_113 : memref<8x128xf32, #tpu.memory_space<hbm>>) target(%dma_start3A_112 : memref<8x128xf32, #tpu.memory_space<hbm>>) target_semaphore(%arg5 : memref<!tpu.dma_semaphore, #tpu.memory_space<semaphore_mem>>)
      %mul3A_114 = arith.constant 8 : i32
      %mul3A_115 = arith.muli %add3A_13, %mul3A_114 : i32
      %add3A_116 = arith.constant 7 : i32
      %add3A_117 = arith.addi %mul3A_115, %add3A_116 : i32
      %get3A_118 = arith.index_cast %add3A_117 : i32 to index
      %get3A_119 = memref.load %arg4[%get3A_118] : memref<512xi32, #tpu.memory_space<smem>>
      %multiple_of3A_120 = tpu.assume_multiple %get3A_119, 128 : i32
      %add3A_121 = arith.constant 7 : i32
      %add3A_122 = arith.addi %multiple_of3A, %add3A_121 : i32
      %dma_start3A_123 = arith.constant 0 : i32
      %dma_start3A_124 = arith.constant 0 : i32
      %dma_start3A_125 = tpu.memref_slice %arg3[%add3A_122, %dma_start3A_123, %dma_start3A_124] : memref<1024x8x128xf32, #tpu.memory_space<hbm>> -> memref<1x8x128xf32, #tpu.memory_space<hbm>>
      %dma_start3A_126 = tpu.memref_squeeze %dma_start3A_125 : memref<1x8x128xf32, #tpu.memory_space<hbm>> -> memref<8x128xf32, #tpu.memory_space<hbm>>
      %dma_start3A_127 = tpu.memref_slice %arg2[%multiple_of3A, %multiple_of3A_120] : memref<1024x100000xf32, #tpu.memory_space<hbm>> -> memref<8x128xf32, #tpu.memory_space<hbm>>
      tpu.enqueue_dma source(%dma_start3A_127 : memref<8x128xf32, #tpu.memory_space<hbm>>) target(%dma_start3A_126 : memref<8x128xf32, #tpu.memory_space<hbm>>) target_semaphore(%arg5 : memref<!tpu.dma_semaphore, #tpu.memory_space<semaphore_mem>>)
    }
    %scan3A_4 = arith.constant 64 : i32
    %scan3A_5 = arith.constant 0 : i32
    %scan3A_6 = arith.constant 64 : i32
    %scan3A_7 = arith.addi %scan3A_5, %scan3A_6 : i32
    %scan3A_8 = arith.constant 1 : i32
    scf.for %scan3A_10 = %scan3A_5 to %scan3A_7 step %scan3A_8  : i32 {
      %mul3A_11 = arith.constant 1 : i32
      %mul3A_12 = arith.muli %scan3A_10, %mul3A_11 : i32
      %add3A = arith.constant 0 : i32
      %add3A_13 = arith.addi %add3A, %mul3A_12 : i32
      %dma_wait3A_14 = arith.constant 0 : i32
      %dma_wait3A_15 = arith.constant 0 : i32
      %dma_wait3A_16 = arith.constant 0 : i32
      %dma_wait3A_17 = tpu.memref_slice %arg3[%dma_wait3A_14, %dma_wait3A_15, %dma_wait3A_16] : memref<1024x8x128xf32, #tpu.memory_space<hbm>> -> memref<8x8x128xf32, #tpu.memory_space<hbm>>
      %dma_wait3A_18 = arith.constant 0 : i32
      %dma_wait3A_19 = arith.constant 0 : i32
      %dma_wait3A_20 = arith.constant 0 : i32
      %dma_wait3A_21 = tpu.memref_slice %arg3[%dma_wait3A_18, %dma_wait3A_19, %dma_wait3A_20] : memref<1024x8x128xf32, #tpu.memory_space<hbm>> -> memref<8x8x128xf32, #tpu.memory_space<hbm>>
      tpu.wait_dma2 semaphore(%arg5 : memref<!tpu.dma_semaphore, #tpu.memory_space<semaphore_mem>>) src(%dma_wait3A_21 : memref<8x8x128xf32, #tpu.memory_space<hbm>>) dst(%dma_wait3A_17 : memref<8x8x128xf32, #tpu.memory_space<hbm>>)
    }
    %scan3A_9 = arith.constant 64 : i32
    return
  }
}

module attributes {stable_mosaic.version = 14 : i64} {
  func.func @body(%arg0: i32, %arg1: memref<8x100000xf32, #tpu.memory_space<vmem>>, %arg2: memref<1024x1xi32, #tpu.memory_space<vmem>>, %arg3: memref<1024x8x128xf32, #tpu.memory_space<vmem>>, %arg4: memref<8x100000xf32, #tpu.memory_space<vmem>>) attributes {dimension_semantics = [#tpu.dimension_semantics<parallel>], iteration_bounds = array<i64: 128>, scalar_prefetch = 0 : i64, scratch_operands = 0 : i64, tpu.core_type = #tpu.core_type<tc>, window_params = [{transform_indices = @transform_0, window_bounds = array<i64: 8, 100000>}, {pipeline_mode = #tpu.pipeline_mode<synchronous>, transform_indices = @transform_1, window_bounds = array<i64: 1024, 1>}, {pipeline_mode = #tpu.pipeline_mode<synchronous>, transform_indices = @transform_2, window_bounds = array<i64: 1024, 8, 128>}, {transform_indices = @transform_3, window_bounds = array<i64: 8, 100000>}]} {
    %mul3A = arith.constant 8 : i32
    %mul3A_0 = arith.muli %arg0, %mul3A : i32
    %get3A = arith.index_cast %mul3A_0 : i32 to index
    %get3A_1 = arith.constant 0 : index
    %get3A_2 = vector.load %arg2[%get3A, %get3A_1] : memref<1024x1xi32, #tpu.memory_space<vmem>>, vector<8x1xi32>
    %max3A = arith.constant 0 : i32
    %max3A_3 = vector.broadcast %max3A : i32 to vector<8x1xi32>
    %max3A_4 = arith.maxsi %get3A_2, %max3A_3 : vector<8x1xi32>
    %rem3A = arith.constant 128 : i32
    %rem3A_5 = vector.broadcast %rem3A : i32 to vector<8x1xi32>
    %rem3A_6 = arith.remsi %max3A_4, %rem3A_5 : vector<8x1xi32>
    %iota3A = tpu.iota {dimensions = array<i32: 0>} : vector<8x1xi32>
    %mul3A_7 = arith.constant 8 : i32
    %mul3A_8 = arith.muli %arg0, %mul3A_7 : i32
    %add3A = vector.broadcast %mul3A_8 : i32 to vector<8x1xi32>
    %add3A_9 = arith.addi %iota3A, %add3A : vector<8x1xi32>
    %rem3A_10 = arith.constant 8 : i32
    %rem3A_11 = vector.broadcast %rem3A_10 : i32 to vector<8x1xi32>
    %rem3A_12 = arith.remsi %add3A_9, %rem3A_11 : vector<8x1xi32>
    %mul3A_13 = arith.constant 8 : i32
    %mul3A_14 = arith.muli %arg0, %mul3A_13 : i32
    %get3A_15 = arith.index_cast %mul3A_14 : i32 to index
    %get3A_16 = arith.constant 0 : index
    %get3A_17 = arith.constant 0 : index
    %get3A_18 = vector.load %arg3[%get3A_15, %get3A_16, %get3A_17] : memref<1024x8x128xf32, #tpu.memory_space<vmem>>, vector<8x8x128xf32>
    %reshape3A = vector.shape_cast %rem3A_12 : vector<8x1xi32> to vector<8x1x1xi32>
    %reshape3A_19 = vector.shape_cast %rem3A_6 : vector<8x1xi32> to vector<8x1x1xi32>
    %iota3A_20 = tpu.iota {dimensions = array<i32: 1>} : vector<8x8x128xi32>
    %eq3A = vector.broadcast %reshape3A : vector<8x1x1xi32> to vector<8x8x128xi32>
    %eq3A_21 = arith.cmpi eq, %iota3A_20, %eq3A : vector<8x8x128xi32>
    %iota3A_22 = tpu.iota {dimensions = array<i32: 2>} : vector<8x8x128xi32>
    %eq3A_23 = vector.broadcast %reshape3A_19 : vector<8x1x1xi32> to vector<8x8x128xi32>
    %eq3A_24 = arith.cmpi eq, %iota3A_22, %eq3A_23 : vector<8x8x128xi32>
    %and3A = arith.andi %eq3A_21, %eq3A_24 : vector<8x8x128xi1>
    %jit3A = arith.constant 0.000000e+00 : f32
    %broadcast_in_dim3A = vector.broadcast %jit3A : f32 to vector<8x8x128xf32>
    %select_n3A = arith.select %and3A, %get3A_18, %broadcast_in_dim3A : vector<8x8x128xi1>, vector<8x8x128xf32>
    %reduce_sum3A = arith.constant dense<0.000000e+00> : vector<8xf32>
    %reduce_sum3A_25 = vector.multi_reduction <add>, %select_n3A, %reduce_sum3A [1, 2] : vector<8x8x128xf32> to vector<8xf32>
    %reshape3A_26 = vector.shape_cast %reduce_sum3A_25 : vector<8xf32> to vector<8x1xf32>
    %abs3A = math.absf %reshape3A_26 : vector<8x1xf32>
    %mul3A_27 = arith.mulf %reshape3A_26, %reshape3A_26 : vector<8x1xf32>
    %mul3A_28 = arith.mulf %reshape3A_26, %mul3A_27 : vector<8x1xf32>
    %mul3A_29 = arith.constant 4.216320e-02 : f32
    %mul3A_30 = vector.broadcast %mul3A_29 : f32 to vector<8x1xf32>
    %mul3A_31 = arith.mulf %mul3A_30, %mul3A_27 : vector<8x1xf32>
    %add3A_32 = arith.constant 0.024181312 : f32
    %add3A_33 = vector.broadcast %add3A_32 : f32 to vector<8x1xf32>
    %add3A_34 = arith.addf %mul3A_31, %add3A_33 : vector<8x1xf32>
    %mul3A_35 = arith.mulf %add3A_34, %mul3A_27 : vector<8x1xf32>
    %add3A_36 = arith.constant 0.0454700254 : f32
    %add3A_37 = vector.broadcast %add3A_36 : f32 to vector<8x1xf32>
    %add3A_38 = arith.addf %mul3A_35, %add3A_37 : vector<8x1xf32>
    %mul3A_39 = arith.mulf %add3A_38, %mul3A_27 : vector<8x1xf32>
    %add3A_40 = arith.constant 0.0749530047 : f32
    %add3A_41 = vector.broadcast %add3A_40 : f32 to vector<8x1xf32>
    %add3A_42 = arith.addf %mul3A_39, %add3A_41 : vector<8x1xf32>
    %mul3A_43 = arith.mulf %add3A_42, %mul3A_27 : vector<8x1xf32>
    %add3A_44 = arith.constant 0.166667521 : f32
    %add3A_45 = vector.broadcast %add3A_44 : f32 to vector<8x1xf32>
    %add3A_46 = arith.addf %mul3A_43, %add3A_45 : vector<8x1xf32>
    %mul3A_47 = arith.mulf %mul3A_28, %add3A_46 : vector<8x1xf32>
    %add3A_48 = arith.addf %reshape3A_26, %mul3A_47 : vector<8x1xf32>
    %sub3A = arith.constant 1.57079637 : f32
    %sub3A_49 = vector.broadcast %sub3A : f32 to vector<8x1xf32>
    %sub3A_50 = arith.subf %sub3A_49, %add3A_48 : vector<8x1xf32>
    %sub3A_51 = arith.constant 1.000000e+00 : f32
    %sub3A_52 = vector.broadcast %sub3A_51 : f32 to vector<8x1xf32>
    %sub3A_53 = arith.subf %sub3A_52, %abs3A : vector<8x1xf32>
    %mul3A_54 = arith.constant 5.000000e-01 : f32
    %mul3A_55 = vector.broadcast %mul3A_54 : f32 to vector<8x1xf32>
    %mul3A_56 = arith.mulf %mul3A_55, %sub3A_53 : vector<8x1xf32>
    %sqrt3A = math.sqrt %mul3A_56 : vector<8x1xf32>
    %mul3A_57 = arith.mulf %sqrt3A, %mul3A_56 : vector<8x1xf32>
    %mul3A_58 = arith.constant 4.216320e-02 : f32
    %mul3A_59 = vector.broadcast %mul3A_58 : f32 to vector<8x1xf32>
    %mul3A_60 = arith.mulf %mul3A_59, %mul3A_56 : vector<8x1xf32>
    %add3A_61 = arith.constant 0.024181312 : f32
    %add3A_62 = vector.broadcast %add3A_61 : f32 to vector<8x1xf32>
    %add3A_63 = arith.addf %mul3A_60, %add3A_62 : vector<8x1xf32>
    %mul3A_64 = arith.mulf %add3A_63, %mul3A_56 : vector<8x1xf32>
    %add3A_65 = arith.constant 0.0454700254 : f32
    %add3A_66 = vector.broadcast %add3A_65 : f32 to vector<8x1xf32>
    %add3A_67 = arith.addf %mul3A_64, %add3A_66 : vector<8x1xf32>
    %mul3A_68 = arith.mulf %add3A_67, %mul3A_56 : vector<8x1xf32>
    %add3A_69 = arith.constant 0.0749530047 : f32
    %add3A_70 = vector.broadcast %add3A_69 : f32 to vector<8x1xf32>
    %add3A_71 = arith.addf %mul3A_68, %add3A_70 : vector<8x1xf32>
    %mul3A_72 = arith.mulf %add3A_71, %mul3A_56 : vector<8x1xf32>
    %add3A_73 = arith.constant 0.166667521 : f32
    %add3A_74 = vector.broadcast %add3A_73 : f32 to vector<8x1xf32>
    %add3A_75 = arith.addf %mul3A_72, %add3A_74 : vector<8x1xf32>
    %mul3A_76 = arith.mulf %mul3A_57, %add3A_75 : vector<8x1xf32>
    %add3A_77 = arith.addf %sqrt3A, %mul3A_76 : vector<8x1xf32>
    %mul3A_78 = arith.constant 2.000000e+00 : f32
    %mul3A_79 = vector.broadcast %mul3A_78 : f32 to vector<8x1xf32>
    %mul3A_80 = arith.mulf %mul3A_79, %add3A_77 : vector<8x1xf32>
    %gt3A = arith.constant 0.000000e+00 : f32
    %gt3A_81 = vector.broadcast %gt3A : f32 to vector<8x1xf32>
    %gt3A_82 = arith.cmpf ogt, %reshape3A_26, %gt3A_81 : vector<8x1xf32>
    %sub3A_83 = arith.constant 3.14159274 : f32
    %sub3A_84 = vector.broadcast %sub3A_83 : f32 to vector<8x1xf32>
    %sub3A_85 = arith.subf %sub3A_84, %mul3A_80 : vector<8x1xf32>
    %select_n3A_86 = arith.select %gt3A_82, %mul3A_80, %sub3A_85 : vector<8x1xi1>, vector<8x1xf32>
    %gt3A_87 = arith.constant 5.000000e-01 : f32
    %gt3A_88 = vector.broadcast %gt3A_87 : f32 to vector<8x1xf32>
    %gt3A_89 = arith.cmpf ogt, %abs3A, %gt3A_88 : vector<8x1xf32>
    %select_n3A_90 = arith.select %gt3A_89, %select_n3A_86, %sub3A_50 : vector<8x1xi1>, vector<8x1xf32>
    %sub3A_91 = arith.constant 0.000000e+00 : f32
    %sub3A_92 = vector.broadcast %sub3A_91 : f32 to vector<8x1xf32>
    %sub3A_93 = arith.subf %select_n3A_90, %sub3A_92 : vector<8x1xf32>
    %integer_pow3A = arith.mulf %sub3A_93, %sub3A_93 : vector<8x1xf32>
    %mul3A_94 = arith.constant -1.000000e+00 : f32
    %mul3A_95 = vector.broadcast %mul3A_94 : f32 to vector<8x1xf32>
    %mul3A_96 = arith.mulf %mul3A_95, %integer_pow3A : vector<8x1xf32>
    %add3A_97 = arith.constant 1.000000e+00 : f32
    %add3A_98 = vector.broadcast %add3A_97 : f32 to vector<8x1xf32>
    %add3A_99 = arith.addf %mul3A_96, %add3A_98 : vector<8x1xf32>
    %mul3A_100 = arith.constant 6.400000e+01 : f32
    %mul3A_101 = vector.broadcast %mul3A_100 : f32 to vector<8x1xf32>
    %mul3A_102 = arith.mulf %add3A_99, %mul3A_101 : vector<8x1xf32>
    %iota3A_103 = tpu.iota {dimensions = array<i32: 1>} : vector<8x100000xi32>
    %eq3A_104 = vector.broadcast %get3A_2 : vector<8x1xi32> to vector<8x100000xi32>
    %eq3A_105 = arith.cmpi eq, %iota3A_103, %eq3A_104 : vector<8x100000xi32>
    %get3A_106 = arith.constant 0 : index
    %get3A_107 = arith.constant 0 : index
    %get3A_108 = vector.load %arg1[%get3A_106, %get3A_107] : memref<8x100000xf32, #tpu.memory_space<vmem>>, vector<8x100000xf32>
    %mul3A_109 = arith.constant 6.400000e+01 : f32
    %mul3A_110 = vector.broadcast %mul3A_109 : f32 to vector<8x100000xf32>
    %mul3A_111 = arith.mulf %get3A_108, %mul3A_110 : vector<8x100000xf32>
    %broadcast_in_dim3A_112 = vector.shape_cast %mul3A_102 : vector<8x1xf32> to vector<8x1xf32>
    %broadcast_in_dim3A_113 = vector.broadcast %broadcast_in_dim3A_112 : vector<8x1xf32> to vector<8x100000xf32>
    %select_n3A_114 = arith.select %eq3A_105, %broadcast_in_dim3A_113, %mul3A_111 : vector<8x100000xi1>, vector<8x100000xf32>
    %swap3A = arith.constant 0 : index
    %swap3A_115 = arith.constant 0 : index
    %swap3A_116 = vector.load %arg4[%swap3A, %swap3A_115] : memref<8x100000xf32, #tpu.memory_space<vmem>>, vector<8x100000xf32>
    tpu.vector_store %arg4[%swap3A, %swap3A_115], %select_n3A_114 {strides = array<i32>} : memref<8x100000xf32, #tpu.memory_space<vmem>>, vector<8x100000xf32>,
    return
  }
  func.func @transform_0(%arg0: i32) -> (i32, i32) {
    %c0_i32 = arith.constant 0 : i32
    %c0_i32_0 = arith.constant 0 : i32
    return %arg0, %c0_i32 : i32, i32
  }
  func.func @transform_1(%arg0: i32) -> (i32, i32) {
    %c0_i32 = arith.constant 0 : i32
    %c0_i32_0 = arith.constant 0 : i32
    %c0_i32_1 = arith.constant 0 : i32
    return %c0_i32, %c0_i32_0 : i32, i32
  }
  func.func @transform_2(%arg0: i32) -> (i32, i32, i32) {
    %c0_i32 = arith.constant 0 : i32
    %c0_i32_0 = arith.constant 0 : i32
    %c0_i32_1 = arith.constant 0 : i32
    %c0_i32_2 = arith.constant 0 : i32
    return %c0_i32, %c0_i32_0, %c0_i32_1 : i32, i32, i32
  }
  func.func @transform_3(%arg0: i32) -> (i32, i32) {
    %c0_i32 = arith.constant 0 : i32
    %c0_i32_0 = arith.constant 0 : i32
    return %arg0, %c0_i32 : i32, i32
  }
}

</mosaic_0001>

<sc_bundles>
// kernel: kernel.4.cloned.1.call-start
scs
__scs_entry_jumppad:
0x0: {  	(pc) =	sbr.rel $0x88, $3  }
0x1: {  	(tag) =	ssettag $0x0;
	lr =	simm.s32 $0x1  }
0x2: {  	[smem:$0x3F9F] =	sst lr;
	_ =	strace $0xD0000000  }
0x3: {  	_ = 	snop  }
0x4: {  	_ = 	snop  }
0x5: {  	_ = 	snop  }
0x6: {  	_ = 	snop  }
0x7: {  	_ = 	snop  }
__scs_overlays_trampoline_lowered:
0x8: {  	[smem:$0x3FAE] =	sst s0  }
0x9: {  	[smem:$0x3FAF] =	sst s1  }
0xa: {  	[smem:$0x3FB0] =	sst s2  }
0xb: {  	[smem:$0x3FB1] =	sst s3  }
0xc: {  	[smem:$0x3FB2] =	sst s4  }
0xd: {  	[smem:$0x3FB3] =	sst s5  }
0xe: {  	[smem:$0x3FB4] =	sst s6  }
0xf: {  	[smem:$0x3FB5] =	sst s7  }
0x10: {  	[smem:$0x3FB6] =	sst s8  }
0x11: {  	[smem:$0x3FB7] =	sst s9;
	s0 =	simm.s32 @!p0 $0x0  }
0x12: {  	s1 =	sld [smem:$0x3F9D];
	s0 =	simm.s32 @p0 $0x1  }
0x13: {  	[smem:$0x3FB8] =	sst s0;
	s0 =	simm.s32 @!p1 $0x0  }
0x14: {  	s2 =	sld [smem:$0x3F9C];
	s0 =	simm.s32 @p1 $0x1  }
0x15: {  	[smem:$0x3FB9] =	sst s0;
	s0 =	simm.s32 @!p2 $0x0  }
0x16: {  	s3 =	sld [smem:$0x3FDB];
	s0 =	simm.s32 @p2 $0x1  }
0x17: {  	s4 =	simm.s32 $0x1BF5;
	[smem:$0x3FBB] =	sst s0  }
0x18: {  	s0 =	sld [smem:$0x3F9E];
	_ =	swait.ge [sflag:s4], $0x0  }
0x19: {  	s7 =	sld [smem:$0x3F9F]  }
0x1a: {  	s8 =	sadd.s32 $0xFFFFE003, lr  }
0x1b: {  	s9 =	sadd.s32 $0xFFFFFEF7, lr;
	s5 =	simm.s32 $0xFFFFFFFF;
	p2 =	slt.u32 s8, $0xFFFFF086  }
0x1c: {  	p1 =	slt.u32 s9, $0xF7A;
	s5 =	simm.s32 @!p2 $0x0  }
0x1d: {  	s5 =	simm.s32 @p1 $0x1;
	p0 =	seq.s32 s7, s2  }
0x1e: {  	s7 =	smul.u32 @!p0 $0xF7A, s2;
	p2 =	seq.s32 @!p0 s5, $0x0  }
0x1f: {  	s9 =	smul.u32 $0xF7A, s1;
	s8 =	simm.s32 @!p0 $0x1BF5;
	p2 =	por !p2, p0  }
0x20: {  	[sflag:s8] =	ssyncset.s32 @!p0 $0xFFFFF086;
	s6 =	sadd.s32 @!p0 s3, s7;
	s7 =	simm.s32 @!p0 $0x108  }
0x21: {  	s3 =	sadd.s32 s3, s9;
	s6 =	sadd.s32 @!p0 $0x88, s6;
	s7 =	simm.s32 @p2 $0x1082  }
0x22: {  	[simem:s7], [sflag:s8] =	dma.local @!p0 [hbm:s6], $0xF7A  }
0x23: {  	s9 =	sor.u32 $0xD0000000, s2;
	s6 =	simm.s32 $0x108;
	_ =	swait.ge @!p0 [sflag:s8], $0x0  }
0x24: {  	s3 =	sadd.s32 $0x88, s3;
	s6 =	simm.s32 @!p1 $0x1082;
	[sflag:s4] =	ssyncset.s32 $0xFFFFF086  }
0x25: {  	[simem:s6], [sflag:s4] =	dma.local [hbm:s3], $0xF7A  }
0x26: {  	[smem:$0x3F9F] =	sst s1;
	(tag) =	ssettag s2;
	_ =	strace s9  }
0x27: {  	s1 =	sld [smem:$0x3FAF]  }
0x28: {  	s2 =	sld [smem:$0x3FB0]  }
0x29: {  	s4 =	sld [smem:$0x3FB2]  }
0x2a: {  	p0 =	seq.s32 s5, $0x0;
	s5 =	sld [smem:$0x3FB3]  }
0x2b: {  	s6 =	sld [smem:$0x3FB4]  }
0x2c: {  	s7 =	sld [smem:$0x3FB5]  }
0x2d: {  	s3 =	simm.s32 $0x108;
	s8 =	sld [smem:$0x3FB6]  }
0x2e: {  	s3 =	simm.s32 @!p0 $0x1082;
	s9 =	sld [smem:$0x3FB7]  }
0x2f: {  	lr =	sadd.s32 s0, s3;
	s0 =	sld [smem:$0x3FAE]  }
0x30: {  	s3 =	sld [smem:$0x3FB1]  }
0x31: {  	[smem:$0x3FBA] =	sst s10  }
0x32: {  	s10 =	sld [smem:$0x3FB8];
	_ =	sdelay $0x3  }
0x33: {  	p0 =	seq.s32 s10, $0x1;
	s10 =	sld [smem:$0x3FBA];
	_ =	sdelay $0x3  }
0x34: {  	[smem:$0x3FBA] =	sst s10  }
0x35: {  	s10 =	sld [smem:$0x3FB9];
	_ =	sdelay $0x3  }
0x36: {  	p1 =	seq.s32 s10, $0x1;
	s10 =	sld [smem:$0x3FBA];
	_ =	sdelay $0x3  }
0x37: {  	[smem:$0x3FBA] =	sst s10  }
0x38: {  	s10 =	sld [smem:$0x3FBB]  }
0x39: {  	_ = 	snop;
	(pc) =	sbr.ind lr, $3  }
0x3a: {  	_ = 	snop  }
0x3b: {  	_ = 	snop  }
0x3c: {  	p2 =	seq.s32 s10, $0x1;
	s10 =	sld [smem:$0x3FBA]  }
0x3d: {  	_ =	shalt  }
0x3e: {  	_ =	shalt  }
0x3f: {  	_ =	shalt  }
0x40: {  	_ =	shalt  }
0x41: {  	_ =	shalt  }
0x42: {  	_ =	shalt  }
0x43: {  	_ =	shalt  }
0x44: {  	_ =	shalt  }
0x45: {  	_ =	shalt  }
0x46: {  	_ =	shalt  }
0x47: {  	_ =	shalt  }
0x48: {  	_ =	shalt  }
0x49: {  	_ =	shalt  }
0x4a: {  	_ =	shalt  }
0x4b: {  	_ =	shalt  }
0x4c: {  	_ =	shalt  }
0x4d: {  	_ =	shalt  }
0x4e: {  	_ =	shalt  }
0x4f: {  	_ =	shalt  }
0x50: {  	_ =	shalt  }
0x51: {  	_ =	shalt  }
0x52: {  	_ =	shalt  }
0x53: {  	_ =	shalt  }
0x54: {  	_ =	shalt  }
0x55: {  	_ =	shalt  }
0x56: {  	_ =	shalt  }
0x57: {  	_ =	shalt  }
0x58: {  	_ =	shalt  }
0x59: {  	_ =	shalt  }
0x5a: {  	_ =	shalt  }
0x5b: {  	_ =	shalt  }
0x5c: {  	_ =	shalt  }
0x5d: {  	_ =	shalt  }
0x5e: {  	_ =	shalt  }
0x5f: {  	_ =	shalt  }
0x60: {  	_ =	shalt  }
0x61: {  	_ =	shalt  }
0x62: {  	_ =	shalt  }
0x63: {  	_ =	shalt  }
0x64: {  	_ =	shalt  }
0x65: {  	_ =	shalt  }
0x66: {  	_ =	shalt  }
0x67: {  	_ =	shalt  }
0x68: {  	_ =	shalt  }
0x69: {  	_ =	shalt  }
0x6a: {  	_ =	shalt  }
0x6b: {  	_ =	shalt  }
0x6c: {  	_ =	shalt  }
0x6d: {  	_ =	shalt  }
0x6e: {  	_ =	shalt  }
0x6f: {  	_ =	shalt  }
0x70: {  	_ =	shalt  }
0x71: {  	_ =	shalt  }
0x72: {  	_ =	shalt  }
0x73: {  	_ =	shalt  }
0x74: {  	_ =	shalt  }
0x75: {  	_ =	shalt  }
0x76: {  	_ =	shalt  }
0x77: {  	_ =	shalt  }
0x78: {  	_ =	shalt  }
0x79: {  	_ =	shalt  }
0x7a: {  	_ =	shalt  }
0x7b: {  	_ =	shalt  }
0x7c: {  	_ =	shalt  }
0x7d: {  	_ =	shalt  }
0x7e: {  	_ =	shalt  }
0x7f: {  	_ =	shalt  }
0x80: {  	_ =	shalt  }
0x81: {  	_ =	shalt  }
0x82: {  	_ =	shalt  }
0x83: {  	_ =	shalt  }
0x84: {  	_ =	shalt  }
0x85: {  	_ =	shalt  }
0x86: {  	_ =	shalt  }
0x87: {  	_ =	shalt  }
.Lfunc_end0:
.L_simem_size_0:
called_computation_lowered:
.L_overlay_start_0:
0x88: {  	s2 =	sld [smem:$0x3FD9]  }
0x89: {  	s3 =	sld [smem:$0x3FFE];
	_ =	sdelay $0x1  }
0x8a: {  	s1 =	srdreg.scid  }
0x8b: {  	s0 =	sand.u32 $0x1, s1  }
0x8c: {  	s16 =	sshll.u32 s0, $0xA;
	s2 =	sadd.s32 s3, s2  }
0x8d: {  	s2 =	sadd.s32 s2, s16  }
0x8e: {  	s17 =	simm.s32 $0x0;
	[smem:$0x3FC6] =	sst s2  }
0x8f: {  	[smem:$0xF] =	sst s17  }
0x90: {  	s4 =	sld [smem:$0x3FD0];
	(tm) =	ssettm $0x1  }
0x91: {  	s18 =	sld [smem:$0x3FFB];
	_ =	sdelay $0x3  }
0x92: {  	_ =	strace s18  }
0x93: {  	s2 =	sld [smem:$0x3FFC];
	_ =	sdelay $0x3  }
0x94: {  	_ =	strace s2  }
0x95: {  	s2 =	sld [smem:$0x3FFD];
	_ =	sdelay $0x3  }
0x96: {  	_ =	strace s2  }
0x97: {  	s19 =	simm.s32 $0x1B8B;
	_ =	strace $0x8FFFFFFF  }
0x98: {  	_ =	swait.ge [sflag:s19], $0x1  }
0x99: {  	s5 =	sld [smem:$0x3FFE];
	_ =	sdelay $0x1  }
0x9a: {  	[sflag:s19] =	ssyncset.done $0x0  }
0x9b: {  	s20 =	simm.s32 $0x1B8E;
	s21 =	sshll.u32 s0, $0x6;
	[sflag:s19] =	ssyncadd.s32 $0xFFFFFFFF  }
0x9c: {  	s6 =	simm.s32 $0x10;
	[smem:$0x3FD2] =	sst s20;
	s2 =	sadd.s32 s21, s5  }
0x9d: {  	_ =	strace $0x80000046;
	s22 =	sadd.s32 $0x800, s2;
	s2 =	simm.s32 $0x9  }
0x9e: {  	[smem:s6], [sflag:s2] =	dma.local [hbm:s22], $0x40  }
0x9f: {  	_ =	swait.ge [sflag:s2], $0x40  }
0xa0: {  	[sflag:s2] =	ssyncset.done $0x0  }
0xa1: {  	[sflag:s2] =	ssyncadd.s32 $0xFFFFFFC0  }
0xa2: {  	s23 =	sld [smem:$0x10];
	_ =	sdelay $0x2  }
0xa3: {  	s3 =	smul.u32 $0x30E0000, s0  }
0xa4: {  	s6 =	sshll.u32 s23, $0x3  }
0xa5: {  	s7 =	sshll.u32 s0, $0x10;
	s8 =	sadd.s32 $0x0, s3;
	s6 =	sand.u32 $0x7FFFFC00, s6  }
0xa6: {  	s7 =	sadd.s32 s7, s4;
	s6 =	sadd.s32 s6, s8  }
0xa7: {  	s4 =	sadd.s32 $0xA00, s5;
	s5 =	sadd.s32 $0x380, s7;
	s6 =	sshrl.u32 s6, $0x3  }
0xa8: {  	s7 =	sadd.s32 $0xFFFFFC80, s5;
	s6 =	sadd.s32 s4, s6  }
0xa9: {  	[hbm:s7], [sflag:s2] =	dma.local [hbm:s6], $0x80  }
0xaa: {  	s6 =	sld [smem:$0x11];
	_ =	sdelay $0x3  }
0xab: {  	s6 =	sshll.u32 s6, $0x3  }
0xac: {  	s6 =	sand.u32 $0x7FFFFC00, s6  }
0xad: {  	s6 =	sadd.s32 s6, s8  }
0xae: {  	s6 =	sshrl.u32 s6, $0x3  }
0xaf: {  	s24 =	sadd.s32 $0xFFFFFD00, s5;
	s6 =	sadd.s32 s4, s6  }
0xb0: {  	[hbm:s24], [sflag:s2] =	dma.local [hbm:s6], $0x80  }
0xb1: {  	s6 =	sld [smem:$0x12];
	_ =	sdelay $0x3  }
0xb2: {  	s6 =	sshll.u32 s6, $0x3  }
0xb3: {  	s6 =	sand.u32 $0x7FFFFC00, s6  }
0xb4: {  	s6 =	sadd.s32 s6, s8  }
0xb5: {  	s6 =	sshrl.u32 s6, $0x3  }
0xb6: {  	s25 =	sadd.s32 $0xFFFFFD80, s5;
	s6 =	sadd.s32 s4, s6  }
0xb7: {  	[hbm:s25], [sflag:s2] =	dma.local [hbm:s6], $0x80  }
0xb8: {  	s6 =	sld [smem:$0x13];
	_ =	sdelay $0x3  }
0xb9: {  	s6 =	sshll.u32 s6, $0x3  }
0xba: {  	s6 =	sand.u32 $0x7FFFFC00, s6  }
0xbb: {  	s6 =	sadd.s32 s6, s8  }
0xbc: {  	s6 =	sshrl.u32 s6, $0x3  }
0xbd: {  	s26 =	sadd.s32 $0xFFFFFE00, s5;
	s6 =	sadd.s32 s4, s6  }
0xbe: {  	[hbm:s26], [sflag:s2] =	dma.local [hbm:s6], $0x80  }
0xbf: {  	s6 =	sld [smem:$0x14];
	_ =	sdelay $0x3  }
0xc0: {  	s6 =	sshll.u32 s6, $0x3  }
0xc1: {  	s6 =	sand.u32 $0x7FFFFC00, s6  }
0xc2: {  	s6 =	sadd.s32 s6, s8  }
0xc3: {  	s6 =	sshrl.u32 s6, $0x3  }
0xc4: {  	s28 =	sadd.s32 $0xFFFFFE80, s5;
	s6 =	sadd.s32 s4, s6  }
0xc5: {  	[hbm:s28], [sflag:s2] =	dma.local [hbm:s6], $0x80  }
0xc6: {  	s6 =	sld [smem:$0x15];
	_ =	sdelay $0x3  }
0xc7: {  	s6 =	sshll.u32 s6, $0x3  }
0xc8: {  	s6 =	sand.u32 $0x7FFFFC00, s6  }
0xc9: {  	s6 =	sadd.s32 s6, s8  }
0xca: {  	s6 =	sshrl.u32 s6, $0x3  }
0xcb: {  	s29 =	sadd.s32 $0xFFFFFF00, s5;
	s6 =	sadd.s32 s4, s6  }
0xcc: {  	[hbm:s29], [sflag:s2] =	dma.local [hbm:s6], $0x80  }
0xcd: {  	s6 =	sld [smem:$0x16];
	_ =	sdelay $0x3  }
0xce: {  	s6 =	sshll.u32 s6, $0x3  }
0xcf: {  	s6 =	sand.u32 $0x7FFFFC00, s6  }
0xd0: {  	s6 =	sadd.s32 s6, s8  }
0xd1: {  	s6 =	sshrl.u32 s6, $0x3  }
0xd2: {  	s30 =	sadd.s32 $0xFFFFFF80, s5;
	s6 =	sadd.s32 s4, s6  }
0xd3: {  	[hbm:s30], [sflag:s2] =	dma.local [hbm:s6], $0x80  }
0xd4: {  	s6 =	sld [smem:$0x17];
	_ =	sdelay $0x3  }
0xd5: {  	s6 =	sshll.u32 s6, $0x3  }
0xd6: {  	s6 =	sand.u32 $0x7FFFFC00, s6  }
0xd7: {  	s31 =	sadd.s32 s6, s8  }
0xd8: {  	s6 =	simm.s32 $0xC3800;
	s7 =	sshrl.u32 s31, $0x3  }
0xd9: {  	s8 =	simm.s32 $0x1C;
	s9 =	sadd.s32 s4, s7;
	s7 =	sadd.s32 $0x400, s5  }
.LBB1_1:
0xda: {  	[hbm:s5], [sflag:s2] =	dma.local [hbm:s9], $0x80  }
0xdb: {  	s9 =	smov.u32 s6;
	s5 =	smov.u32 s7  }
0xdc: {  	p0 =	sne.s32 s6, $0x301C800;
	s6 =	sadd.s32 $0xC3800, s6;
	s10 =	sld [smem:s8+$0xFFFFFFFC]  }
0xdd: {  	_ =	sdelay $0x2  }
0xde: {  	s10 =	sshll.u32 s10, $0x3  }
0xdf: {  	s9 =	sadd.s32 s9, s3;
	s10 =	sand.u32 $0x7FFFFC00, s10  }
0xe0: {  	s10 =	sadd.s32 s10, s9  }
0xe1: {  	s10 =	sshrl.u32 s10, $0x3  }
0xe2: {  	s11 =	sadd.s32 $0xFFFFFC80, s7;
	s10 =	sadd.s32 s4, s10  }
0xe3: {  	[hbm:s11], [sflag:s2] =	dma.local [hbm:s10], $0x80  }
0xe4: {  	s10 =	sld [smem:s8+$0xFFFFFFFD];
	_ =	sdelay $0x3  }
0xe5: {  	s10 =	sshll.u32 s10, $0x3  }
0xe6: {  	s10 =	sand.u32 $0x7FFFFC00, s10  }
0xe7: {  	s10 =	sadd.s32 s10, s9  }
0xe8: {  	s10 =	sshrl.u32 s10, $0x3  }
0xe9: {  	s11 =	sadd.s32 $0xFFFFFD00, s7;
	s10 =	sadd.s32 s4, s10  }
0xea: {  	[hbm:s11], [sflag:s2] =	dma.local [hbm:s10], $0x80  }
0xeb: {  	s10 =	sld [smem:s8+$0xFFFFFFFE];
	_ =	sdelay $0x3  }
0xec: {  	s10 =	sshll.u32 s10, $0x3  }
0xed: {  	s10 =	sand.u32 $0x7FFFFC00, s10  }
0xee: {  	s10 =	sadd.s32 s10, s9  }
0xef: {  	s10 =	sshrl.u32 s10, $0x3  }
0xf0: {  	s11 =	sadd.s32 $0xFFFFFD80, s7;
	s10 =	sadd.s32 s4, s10  }
0xf1: {  	[hbm:s11], [sflag:s2] =	dma.local [hbm:s10], $0x80  }
0xf2: {  	s10 =	sld [smem:s8+$0xFFFFFFFF];
	_ =	sdelay $0x3  }
0xf3: {  	s10 =	sshll.u32 s10, $0x3  }
0xf4: {  	s10 =	sand.u32 $0x7FFFFC00, s10  }
0xf5: {  	s10 =	sadd.s32 s10, s9  }
0xf6: {  	s10 =	sshrl.u32 s10, $0x3  }
0xf7: {  	s11 =	sadd.s32 $0xFFFFFE00, s7;
	s10 =	sadd.s32 s4, s10  }
0xf8: {  	[hbm:s11], [sflag:s2] =	dma.local [hbm:s10], $0x80  }
0xf9: {  	s10 =	sld [smem:s8+$0x0];
	_ =	sdelay $0x3  }
0xfa: {  	s10 =	sshll.u32 s10, $0x3  }
0xfb: {  	s10 =	sand.u32 $0x7FFFFC00, s10  }
0xfc: {  	s10 =	sadd.s32 s10, s9  }
0xfd: {  	s10 =	sshrl.u32 s10, $0x3  }
0xfe: {  	s11 =	sadd.s32 $0xFFFFFE80, s7;
	s10 =	sadd.s32 s4, s10  }
0xff: {  	[hbm:s11], [sflag:s2] =	dma.local [hbm:s10], $0x80  }
0x100: {  	s10 =	sld [smem:s8+$0x1];
	_ =	sdelay $0x3  }
0x101: {  	s10 =	sshll.u32 s10, $0x3  }
0x102: {  	s10 =	sand.u32 $0x7FFFFC00, s10  }
0x103: {  	s10 =	sadd.s32 s10, s9  }
0x104: {  	s10 =	sshrl.u32 s10, $0x3  }
0x105: {  	s11 =	sadd.s32 $0xFFFFFF00, s7;
	s10 =	sadd.s32 s4, s10  }
0x106: {  	[hbm:s11], [sflag:s2] =	dma.local [hbm:s10], $0x80  }
0x107: {  	s10 =	sld [smem:s8+$0x2];
	_ =	sdelay $0x3  }
0x108: {  	s10 =	sshll.u32 s10, $0x3  }
0x109: {  	s10 =	sand.u32 $0x7FFFFC00, s10  }
0x10a: {  	s10 =	sadd.s32 s10, s9  }
0x10b: {  	s10 =	sshrl.u32 s10, $0x3  }
0x10c: {  	s11 =	sadd.s32 $0xFFFFFF80, s7;
	s10 =	sadd.s32 s4, s10  }
0x10d: {  	[hbm:s11], [sflag:s2] =	dma.local [hbm:s10], $0x80  }
0x10e: {  	s10 =	sld [smem:s8+$0x3];
	_ =	sdelay $0x3  }
0x10f: {  	s10 =	sshll.u32 s10, $0x3  }
.Ltmp0:
0x110: {  	s10 =	sand.u32 $0x7FFFFC00, s10;
	(pc) =	sbr.rel @p0 .LBB1_1-.Ltmp0, $3  }
0x111: {  	s9 =	sadd.s32 s10, s9  }
0x112: {  	s9 =	sshrl.u32 s9, $0x3  }
0x113: {  	s7 =	sadd.s32 $0x400, s7;
	s8 =	sadd.s32 $0x8, s8;
	s9 =	sadd.s32 s4, s9  }
0x114: {  	[hbm:s5], [sflag:s2] =	dma.local [hbm:s9], $0x80  }
0x115: {  	s2 =	simm.s32 $0x9  }
0x116: {  	_ =	swait.ge [sflag:s2], $0x400  }
0x117: {  	s3 =	simm.s32 $0x3F;
	[sflag:s2] =	ssyncset.done $0x0  }
.LBB1_3:
0x118: {  	p0 =	sne.s32 s3, $0x1;
	s3 =	sadd.s32 $0xFFFFFFFF, s3;
	[sflag:s2] =	ssyncadd.s32 $0xFFFFFC00  }
.Ltmp1:
0x119: {  	(pc) =	sbr.rel @p0 .LBB1_3-.Ltmp1, $3  }
0x11a: {  	_ = 	snop  }
0x11b: {  	_ =	swait.ge [sflag:s2], $0x400  }
0x11c: {  	[sflag:s2] =	ssyncset.done $0x0  }
0x11d: {  	[sflag:s2] =	ssyncadd.s32 $0xFFFFFC00  }
0x11e: {  	_ =	strace $0x90000046  }
0x11f: {  	_ =	sfence  }
0x120: {  	s30 =	sld [smem:$0x0];
	_ =	sdelay $0x2  }
0x121: {  	s3 =	sshll.u32 s1, $0xD;
	s31 =	sshrl.u32 s1, $0x2  }
0x122: {  	s3 =	sand.u32 $0x4000, s3;
	s1 =	sadd.s32 s31, s30  }
0x123: {  	s0 =	sor.u32 s3, s0;
	s1 =	sshll.u32 s1, $0x11  }
0x124: {  	s0 =	sor.u32 s1, s0  }
0x125: {  	s0 =	sadd.s32 $0x8F2B, s0;
	(pc) =	sbr.abs _section_cstart, $3  }
0x126: {  	[sflag:s0] =	ssyncadd.remote.s32 $0x1  }
0x127: {  	_ =	strace $0x9FFFFFFF  }
0x128: {  	(tm) =	ssettm $0x7FFFFFFF  }
0x129: {  	_ =	shalt  }

</sc_bundles>
